<compile_context>
chip_gen: v7x
topology: tpu7x:2x2x1
jax: 0.10.2.dev20260603
libtpu: 0.0.44.dev20260713+nightly
codegen_flags: <defaults>
</compile_context>

<pallas_src>
import functools

import jax
import jax.numpy as jnp
from jax import lax
from jax.experimental import pallas as pl
from jax.experimental.pallas import tpu as pltpu
from jax.experimental.pallas import tpu_sc as plsc

VOCAB = 30522
HID = 768
L = 40
IMG = 384
PATCH = 16
CH = 3
GRID = IMG // PATCH
NPATCH = GRID * GRID
NTOK = 1 + NPATCH
EPS = 1e-12
_BB = 2

_NC = 2
_NS = 16
_NW = _NC * _NS


def _sc_gather_fn(n_ids, rows_per_w):
    mesh = plsc.VectorSubcoreMesh(core_axis_name="c", subcore_axis_name="s")

    @functools.partial(
        pl.kernel,
        mesh=mesh,
        out_type=jax.ShapeDtypeStruct((n_ids, HID), jnp.float32),
        scratch_types=[
            pltpu.VMEM((rows_per_w,), jnp.int32),
            pltpu.VMEM((rows_per_w, HID), jnp.float32),
            pltpu.SemaphoreType.DMA,
        ],
    )
    def gather_kernel(table_hbm, idx_hbm, out_hbm, idx_v, rows_v, sem):
        wid = lax.axis_index("s") * _NC + lax.axis_index("c")
        base = wid * rows_per_w
        pltpu.sync_copy(idx_hbm.at[pl.ds(base, rows_per_w)], idx_v)
        pltpu.async_copy(table_hbm.at[idx_v], rows_v, sem).wait()
        pltpu.sync_copy(rows_v, out_hbm.at[pl.ds(base, rows_per_w)])

    return gather_kernel


def _tc_body(we_ref, pos_ref, tok_ref, mod_ref, g_ref, b_ref,
             w_ref, pb_ref, cls_ref, ipos_ref, px_ref, out_ref):
    for i in range(_BB):
        tb = we_ref[i] + pos_ref[...] + tok_ref[0:1, :]
        m = jnp.mean(tb, axis=-1, keepdims=True)
        v = jnp.mean((tb - m) ** 2, axis=-1, keepdims=True)
        tn = (tb - m) * lax.rsqrt(v + EPS) * g_ref[...] + b_ref[...]
        out_ref[i, 0:L, :] = tn + mod_ref[0:1, :]

        px = px_ref[i].astype(jnp.bfloat16)
        acc = None
        for c in range(CH):
            pc = (px[c].reshape(GRID, PATCH, GRID, PATCH)
                  .transpose(0, 2, 1, 3)
                  .reshape(NPATCH, PATCH * PATCH))
            d = jnp.dot(pc, w_ref[c * PATCH * PATCH:(c + 1) * PATCH * PATCH, :],
                        preferred_element_type=jnp.float32)
            acc = d if acc is None else acc + d
        img = acc + pb_ref[...] + ipos_ref[1:NTOK, :] + mod_ref[1:2, :]
        cls_row = cls_ref[...] + ipos_ref[0:1, :] + mod_ref[1:2, :]
        out_ref[i, L:L + NTOK, :] = jnp.concatenate([cls_row, img], axis=0)


def kernel(input_ids, attention_mask, token_type_ids, pixel_values, pixel_mask,
           word_emb, pos_emb, tok_type_emb, ln_g, ln_b,
           patch_W, patch_b, cls_token, img_pos_emb, mod_type_emb):
    B, Lx = input_ids.shape
    n_ids = B * Lx
    rows_per_w = n_ids // _NW

    ids_flat = input_ids.reshape(n_ids).astype(jnp.int32)
    we = _sc_gather_fn(n_ids, rows_per_w)(word_emb, ids_flat)
    we = we.reshape(B, Lx, HID)

    full = lambda shape: pl.BlockSpec(shape, lambda b: (0,) * len(shape))
    out = pl.pallas_call(
        _tc_body,
        grid=(B // _BB,),
        in_specs=[
            pl.BlockSpec((_BB, Lx, HID), lambda b: (b, 0, 0)),
            full((Lx, HID)),
            full((1, HID)),
            full((2, HID)),
            full((1, HID)),
            full((1, HID)),
            full((HID, HID)),
            full((1, HID)),
            full((1, HID)),
            full((NTOK, HID)),
            pl.BlockSpec((_BB, CH, IMG, IMG), lambda b: (b, 0, 0, 0)),
        ],
        out_specs=pl.BlockSpec((_BB, Lx + NTOK, HID), lambda b: (b, 0, 0)),
        out_shape=jax.ShapeDtypeStruct((B, Lx + NTOK, HID), jnp.float32),
    )(we, pos_emb[:Lx], tok_type_emb[0:1], mod_type_emb,
      ln_g.reshape(1, HID), ln_b.reshape(1, HID),
      patch_W.astype(jnp.bfloat16), patch_b.reshape(1, HID),
      cls_token.reshape(1, HID), img_pos_emb, pixel_values)

    masks = jnp.concatenate(
        [attention_mask,
         jnp.ones((B, NTOK), dtype=attention_mask.dtype)], axis=1)
    return (out, masks)

# --- scband reference (transcript-rebuilt; emitter-appended) ---
"""Pipeline reference for scband-vilt-embeddings-52553219834636 (READ-ONLY COPY).

The authoritative reference and input builder live on the scoring server;
editing this copy changes nothing except your own understanding.
"""

import jax, jax.numpy as jnp
import numpy as np

VOCAB = 30522
HID = 768
MAXPOS = 40
TYPE_VOCAB = 2
MOD_VOCAB = 2
IMG = 384
PATCH = 16
CH = 3
GRID = IMG // PATCH
NPATCH = GRID * GRID  # 576
EPS = 1e-12


def layer_norm(x, g, b):
    m = jnp.mean(x, axis=-1, keepdims=True)
    v = jnp.mean((x - m) ** 2, axis=-1, keepdims=True)
    return (x - m) / jnp.sqrt(v + EPS) * g + b


def setup_inputs(seed: int = 0) -> dict:
    key = jax.random.key(seed)
    ks = jax.random.split(key, 12)
    B, L = 32, 40
    input_ids = jax.random.randint(ks[0], (B, L), 0, VOCAB, dtype=jnp.int64 if jax.config.jax_enable_x64 else jnp.int32)
    attention_mask = jnp.ones((B, L), dtype=jnp.int32)
    token_type_ids = jnp.zeros((B, L), dtype=jnp.int32)
    pixel_values = jax.random.normal(ks[1], (B, CH, IMG, IMG), dtype=jnp.float32)
    pixel_mask = jnp.ones((B, IMG, IMG), dtype=jnp.int32)
    word_emb = jax.random.normal(ks[2], (VOCAB, HID), dtype=jnp.float32) * 0.02
    pos_emb = jax.random.normal(ks[3], (MAXPOS, HID), dtype=jnp.float32) * 0.02
    tok_type_emb = jax.random.normal(ks[4], (TYPE_VOCAB, HID), dtype=jnp.float32) * 0.02
    ln_g = jnp.ones((HID,), dtype=jnp.float32)
    ln_b = jnp.zeros((HID,), dtype=jnp.float32)
    patch_W = jax.random.normal(ks[5], (CH * PATCH * PATCH, HID), dtype=jnp.float32) * 0.02
    patch_b = jnp.zeros((HID,), dtype=jnp.float32)
    cls_token = jax.random.normal(ks[6], (1, 1, HID), dtype=jnp.float32) * 0.02
    img_pos_emb = jax.random.normal(ks[7], (NPATCH + 1, HID), dtype=jnp.float32) * 0.02
    mod_type_emb = jax.random.normal(ks[8], (MOD_VOCAB, HID), dtype=jnp.float32) * 0.02
    return {
        "input_ids": input_ids,
        "attention_mask": attention_mask,
        "token_type_ids": token_type_ids,
        "pixel_values": pixel_values,
        "pixel_mask": pixel_mask,
        "word_emb": word_emb,
        "pos_emb": pos_emb,
        "tok_type_emb": tok_type_emb,
        "ln_g": ln_g,
        "ln_b": ln_b,
        "patch_W": patch_W,
        "patch_b": patch_b,
        "cls_token": cls_token,
        "img_pos_emb": img_pos_emb,
        "mod_type_emb": mod_type_emb,
    }


def reference(input_ids, attention_mask, token_type_ids, pixel_values, pixel_mask,
              word_emb, pos_emb, tok_type_emb, ln_g, ln_b,
              patch_W, patch_b, cls_token, img_pos_emb, mod_type_emb):
    B, L = input_ids.shape
    # ---- TextEmbeddings (BERT-style): word + position + token_type, LayerNorm ----
    we = jnp.take(word_emb, input_ids, axis=0)
    pe = pos_emb[:L][None, :, :]
    te = jnp.take(tok_type_emb, token_type_ids, axis=0)
    text_embeds = layer_norm(we + pe + te, ln_g, ln_b)
    # ---- VITEmbeddings (ViT-style): patch projection + cls token + position embeddings ----
    x = pixel_values.reshape(B, CH, GRID, PATCH, GRID, PATCH)
    x = jnp.transpose(x, (0, 2, 4, 1, 3, 5)).reshape(B, NPATCH, CH * PATCH * PATCH)
    patches = x @ patch_W + patch_b
    cls = jnp.broadcast_to(cls_token, (B, 1, HID))
    image_embeds = jnp.concatenate([cls, patches], axis=1) + img_pos_emb[None, :, :]
    image_masks = jnp.ones((B, NPATCH + 1), dtype=attention_mask.dtype)
    # ---- modality type embeddings ----
    text_embeds = text_embeds + jnp.take(mod_type_emb, jnp.zeros_like(attention_mask), axis=0)
    image_embeds = image_embeds + jnp.take(mod_type_emb, jnp.full_like(image_masks, 1), axis=0)
    embeddings = jnp.concatenate([text_embeds, image_embeds], axis=1)
    masks = jnp.concatenate([attention_mask, image_masks], axis=1)
    return (embeddings, masks)

if __name__ == "__main__":
    import jax
    _d = setup_inputs()
    print(jax.jit(kernel)(*tuple(_d.values())))

</pallas_src>

<mosaic_0001>
#map = affine_map<(d0, d1) -> (0, 0)>
#map1 = affine_map<(d0, d1) -> (0)>
module attributes {stable_mosaic.version = 14 : i64} {
  func.func @gather_kernel(%arg0: i32, %arg1: i32, %arg2: memref<30522x768xf32, #tpu.memory_space<hbm>>, %arg3: memref<1280xi32, #tpu.memory_space<hbm>>, %arg4: memref<1280x768xf32, #tpu.memory_space<hbm>>, %arg5: memref<40xi32, #tpu.memory_space<vmem>>, %arg6: memref<40x768xf32, #tpu.memory_space<vmem>>, %arg7: memref<!tpu.dma_semaphore, #tpu.memory_space<semaphore_mem>>) attributes {dimension_semantics = [#tpu.dimension_semantics<core_parallel>, #tpu.dimension_semantics<subcore_parallel>], iteration_bounds = array<i64: 2, 16>, scalar_prefetch = 0 : i64, scratch_operands = 3 : i64, tpu.core_type = #tpu.core_type<sc_vector_subcore>, window_params = [{transform_indices = #map}, {transform_indices = #map1}, {transform_indices = #map}]} {
    %mul3A = arith.constant 2 : i32
    %mul3A_0 = arith.muli %arg1, %mul3A : i32
    %add3A = arith.addi %mul3A_0, %arg0 : i32
    %mul3A_1 = arith.constant 40 : i32
    %mul3A_2 = arith.muli %add3A, %mul3A_1 : i32
    "tpu.region"() ({
      %run_scoped3A = tpu.sem_alloc : memref<!tpu.dma_semaphore, #tpu.memory_space<semaphore_mem>>
      %dma_start3A_7 = tpu.memref_slice %arg3[%mul3A_2] : memref<1280xi32, #tpu.memory_space<hbm>> -> memref<40xi32, #tpu.memory_space<hbm>>
      %dma_start3A_8 = tpu.memref_slice %arg3[%mul3A_2] : memref<1280xi32, #tpu.memory_space<hbm>> -> memref<40xi32, #tpu.memory_space<hbm>>
      tpu.enqueue_dma source(%dma_start3A_8 : memref<40xi32, #tpu.memory_space<hbm>>) target(%arg5 : memref<40xi32, #tpu.memory_space<vmem>>) target_semaphore(%run_scoped3A : memref<!tpu.dma_semaphore, #tpu.memory_space<semaphore_mem>>)
      %dma_wait3A_9 = tpu.memref_slice %arg3[%mul3A_2] : memref<1280xi32, #tpu.memory_space<hbm>> -> memref<40xi32, #tpu.memory_space<hbm>>
      %dma_wait3A_10 = tpu.memref_slice %arg3[%mul3A_2] : memref<1280xi32, #tpu.memory_space<hbm>> -> memref<40xi32, #tpu.memory_space<hbm>>
      tpu.wait_dma2 semaphore(%run_scoped3A : memref<!tpu.dma_semaphore, #tpu.memory_space<semaphore_mem>>) src(%dma_wait3A_10 : memref<40xi32, #tpu.memory_space<hbm>>) dst(%arg5 : memref<40xi32, #tpu.memory_space<vmem>>)
      tpu.yield
    }) : () -> ()
    %dma_start3A = arith.constant 0 : i32
    %dma_start3A_3 = arith.constant 0 : i32
    %dma_start3A_4 = tpu.memref_slice %arg2[%dma_start3A, %dma_start3A_3] : memref<30522x768xf32, #tpu.memory_space<hbm>> -> memref<30522x768xf32, #tpu.memory_space<hbm>>
    tpu.enqueue_indirect_dma source(%dma_start3A_4 : memref<30522x768xf32, #tpu.memory_space<hbm>>) target(%arg6 : memref<40x768xf32, #tpu.memory_space<vmem>>) offsets(%arg5 : memref<40xi32, #tpu.memory_space<vmem>>) semaphore(%arg7 : memref<!tpu.dma_semaphore, #tpu.memory_space<semaphore_mem>>)
    %dma_wait3A = arith.constant 0 : i32
    %dma_wait3A_5 = arith.constant 0 : i32
    %dma_wait3A_6 = tpu.memref_slice %arg2[%dma_wait3A, %dma_wait3A_5] : memref<30522x768xf32, #tpu.memory_space<hbm>> -> memref<30522x768xf32, #tpu.memory_space<hbm>>
    tpu.wait_indirect_dma semaphore(%arg7 : memref<!tpu.dma_semaphore, #tpu.memory_space<semaphore_mem>>) src(%dma_wait3A_6 : memref<30522x768xf32, #tpu.memory_space<hbm>>) dst(%arg6 : memref<40x768xf32, #tpu.memory_space<vmem>>)
    "tpu.region"() ({
      %run_scoped3A = tpu.sem_alloc : memref<!tpu.dma_semaphore, #tpu.memory_space<semaphore_mem>>
      %dma_start3A_7 = arith.constant 0 : i32
      %dma_start3A_8 = tpu.memref_slice %arg4[%mul3A_2, %dma_start3A_7] : memref<1280x768xf32, #tpu.memory_space<hbm>> -> memref<40x768xf32, #tpu.memory_space<hbm>>
      %dma_start3A_9 = arith.constant 0 : i32
      %dma_start3A_10 = tpu.memref_slice %arg4[%mul3A_2, %dma_start3A_9] : memref<1280x768xf32, #tpu.memory_space<hbm>> -> memref<40x768xf32, #tpu.memory_space<hbm>>
      tpu.enqueue_dma source(%arg6 : memref<40x768xf32, #tpu.memory_space<vmem>>) target(%dma_start3A_10 : memref<40x768xf32, #tpu.memory_space<hbm>>) target_semaphore(%run_scoped3A : memref<!tpu.dma_semaphore, #tpu.memory_space<semaphore_mem>>)
      %dma_wait3A_11 = arith.constant 0 : i32
      %dma_wait3A_12 = tpu.memref_slice %arg4[%mul3A_2, %dma_wait3A_11] : memref<1280x768xf32, #tpu.memory_space<hbm>> -> memref<40x768xf32, #tpu.memory_space<hbm>>
      %dma_wait3A_13 = arith.constant 0 : i32
      %dma_wait3A_14 = tpu.memref_slice %arg4[%mul3A_2, %dma_wait3A_13] : memref<1280x768xf32, #tpu.memory_space<hbm>> -> memref<40x768xf32, #tpu.memory_space<hbm>>
      tpu.wait_dma2 semaphore(%run_scoped3A : memref<!tpu.dma_semaphore, #tpu.memory_space<semaphore_mem>>) src(%arg6 : memref<40x768xf32, #tpu.memory_space<vmem>>) dst(%dma_wait3A_14 : memref<40x768xf32, #tpu.memory_space<hbm>>)
      tpu.yield
    }) : () -> ()
    return
  }
}

module attributes {stable_mosaic.version = 14 : i64} {
  func.func @_tc_body(%arg0: i32, %arg1: memref<2x40x768xf32, #tpu.memory_space<vmem>>, %arg2: memref<40x768xf32, #tpu.memory_space<vmem>>, %arg3: memref<1x768xf32, #tpu.memory_space<vmem>>, %arg4: memref<2x768xf32, #tpu.memory_space<vmem>>, %arg5: memref<1x768xf32, #tpu.memory_space<vmem>>, %arg6: memref<1x768xf32, #tpu.memory_space<vmem>>, %arg7: memref<768x768xbf16, #tpu.memory_space<vmem>>, %arg8: memref<1x768xf32, #tpu.memory_space<vmem>>, %arg9: memref<1x768xf32, #tpu.memory_space<vmem>>, %arg10: memref<577x768xf32, #tpu.memory_space<vmem>>, %arg11: memref<2x3x384x384xf32, #tpu.memory_space<vmem>>, %arg12: memref<2x617x768xf32, #tpu.memory_space<vmem>>) attributes {dimension_semantics = [#tpu.dimension_semantics<arbitrary>], iteration_bounds = array<i64: 16>, scalar_prefetch = 0 : i64, scratch_operands = 0 : i64, tpu.core_type = #tpu.core_type<tc>, window_params = [{transform_indices = @transform_0, window_bounds = array<i64: 2, 40, 768>}, {pipeline_mode = #tpu.pipeline_mode<synchronous>, transform_indices = @transform_1, window_bounds = array<i64: 40, 768>}, {pipeline_mode = #tpu.pipeline_mode<synchronous>, transform_indices = @transform_2, window_bounds = array<i64: 1, 768>}, {pipeline_mode = #tpu.pipeline_mode<synchronous>, transform_indices = @transform_3, window_bounds = array<i64: 2, 768>}, {pipeline_mode = #tpu.pipeline_mode<synchronous>, transform_indices = @transform_4, window_bounds = array<i64: 1, 768>}, {pipeline_mode = #tpu.pipeline_mode<synchronous>, transform_indices = @transform_5, window_bounds = array<i64: 1, 768>}, {pipeline_mode = #tpu.pipeline_mode<synchronous>, transform_indices = @transform_6, window_bounds = array<i64: 768, 768>}, {pipeline_mode = #tpu.pipeline_mode<synchronous>, transform_indices = @transform_7, window_bounds = array<i64: 1, 768>}, {pipeline_mode = #tpu.pipeline_mode<synchronous>, transform_indices = @transform_8, window_bounds = array<i64: 1, 768>}, {pipeline_mode = #tpu.pipeline_mode<synchronous>, transform_indices = @transform_9, window_bounds = array<i64: 577, 768>}, {transform_indices = @transform_10, window_bounds = array<i64: 2, 3, 384, 384>}, {transform_indices = @transform_11, window_bounds = array<i64: 2, 617, 768>}]} {
    %get3A = arith.constant 0 : index
    %get3A_0 = arith.constant 0 : index
    %get3A_1 = arith.constant 0 : index
    %get3A_2 = vector.load %arg1[%get3A, %get3A_0, %get3A_1] : memref<2x40x768xf32, #tpu.memory_space<vmem>>, vector<1x40x768xf32>
    %get3A_3 = vector.shape_cast %get3A_2 : vector<1x40x768xf32> to vector<40x768xf32>
    %get3A_4 = arith.constant 0 : index
    %get3A_5 = arith.constant 0 : index
    %get3A_6 = vector.load %arg2[%get3A_4, %get3A_5] : memref<40x768xf32, #tpu.memory_space<vmem>>, vector<40x768xf32>
    %add3A = arith.addf %get3A_3, %get3A_6 : vector<40x768xf32>
    %get3A_7 = arith.constant 0 : index
    %get3A_8 = arith.constant 0 : index
    %get3A_9 = vector.load %arg3[%get3A_7, %get3A_8] : memref<1x768xf32, #tpu.memory_space<vmem>>, vector<1x768xf32>
    %add3A_10 = vector.broadcast %get3A_9 : vector<1x768xf32> to vector<40x768xf32>
    %add3A_11 = arith.addf %add3A, %add3A_10 : vector<40x768xf32>
    %reduce_sum3A = arith.constant dense<0.000000e+00> : vector<40xf32>
    %reduce_sum3A_12 = vector.multi_reduction <add>, %add3A_11, %reduce_sum3A [1] : vector<40x768xf32> to vector<40xf32>
    %broadcast_in_dim3A = vector.shape_cast %reduce_sum3A_12 : vector<40xf32> to vector<40x1xf32>
    %div3A = arith.constant 7.680000e+02 : f32
    %div3A_13 = vector.broadcast %div3A : f32 to vector<40x1xf32>
    %div3A_14 = arith.divf %broadcast_in_dim3A, %div3A_13 : vector<40x1xf32>
    %sub3A = vector.broadcast %div3A_14 : vector<40x1xf32> to vector<40x768xf32>
    %sub3A_15 = arith.subf %add3A_11, %sub3A : vector<40x768xf32>
    %integer_pow3A = arith.mulf %sub3A_15, %sub3A_15 : vector<40x768xf32>
    %reduce_sum3A_16 = arith.constant dense<0.000000e+00> : vector<40xf32>
    %reduce_sum3A_17 = vector.multi_reduction <add>, %integer_pow3A, %reduce_sum3A_16 [1] : vector<40x768xf32> to vector<40xf32>
    %broadcast_in_dim3A_18 = vector.shape_cast %reduce_sum3A_17 : vector<40xf32> to vector<40x1xf32>
    %div3A_19 = arith.constant 7.680000e+02 : f32
    %div3A_20 = vector.broadcast %div3A_19 : f32 to vector<40x1xf32>
    %div3A_21 = arith.divf %broadcast_in_dim3A_18, %div3A_20 : vector<40x1xf32>
    %sub3A_22 = vector.broadcast %div3A_14 : vector<40x1xf32> to vector<40x768xf32>
    %sub3A_23 = arith.subf %add3A_11, %sub3A_22 : vector<40x768xf32>
    %add3A_24 = arith.constant 9.99999996E-13 : f32
    %add3A_25 = vector.broadcast %add3A_24 : f32 to vector<40x1xf32>
    %add3A_26 = arith.addf %div3A_21, %add3A_25 : vector<40x1xf32>
    %rsqrt3A = math.rsqrt %add3A_26 : vector<40x1xf32>
    %mul3A = vector.broadcast %rsqrt3A : vector<40x1xf32> to vector<40x768xf32>
    %mul3A_27 = arith.mulf %sub3A_23, %mul3A : vector<40x768xf32>
    %get3A_28 = arith.constant 0 : index
    %get3A_29 = arith.constant 0 : index
    %get3A_30 = vector.load %arg5[%get3A_28, %get3A_29] : memref<1x768xf32, #tpu.memory_space<vmem>>, vector<1x768xf32>
    %mul3A_31 = vector.broadcast %get3A_30 : vector<1x768xf32> to vector<40x768xf32>
    %mul3A_32 = arith.mulf %mul3A_27, %mul3A_31 : vector<40x768xf32>
    %get3A_33 = arith.constant 0 : index
    %get3A_34 = arith.constant 0 : index
    %get3A_35 = vector.load %arg6[%get3A_33, %get3A_34] : memref<1x768xf32, #tpu.memory_space<vmem>>, vector<1x768xf32>
    %add3A_36 = vector.broadcast %get3A_35 : vector<1x768xf32> to vector<40x768xf32>
    %add3A_37 = arith.addf %mul3A_32, %add3A_36 : vector<40x768xf32>
    %get3A_38 = arith.constant 0 : index
    %get3A_39 = arith.constant 0 : index
    %get3A_40 = vector.load %arg4[%get3A_38, %get3A_39] : memref<2x768xf32, #tpu.memory_space<vmem>>, vector<1x768xf32>
    %add3A_41 = vector.broadcast %get3A_40 : vector<1x768xf32> to vector<40x768xf32>
    %add3A_42 = arith.addf %add3A_37, %add3A_41 : vector<40x768xf32>
    %swap3A = arith.constant 0 : index
    %swap3A_43 = arith.constant 0 : index
    %swap3A_44 = arith.constant 0 : index
    %swap3A_45 = vector.load %arg12[%swap3A, %swap3A_43, %swap3A_44] : memref<2x617x768xf32, #tpu.memory_space<vmem>>, vector<1x40x768xf32>
    %swap3A_46 = vector.shape_cast %swap3A_45 : vector<1x40x768xf32> to vector<40x768xf32>
    %swap3A_47 = vector.shape_cast %add3A_42 : vector<40x768xf32> to vector<1x40x768xf32>
    tpu.vector_store %arg12[%swap3A, %swap3A_43, %swap3A_44], %swap3A_47 {strides = array<i32>} : memref<2x617x768xf32, #tpu.memory_space<vmem>>, vector<1x40x768xf32>,
    %get3A_48 = arith.constant 0 : index
    %get3A_49 = arith.constant 0 : index
    %get3A_50 = arith.constant 0 : index
    %get3A_51 = arith.constant 0 : index
    %get3A_52 = vector.load %arg11[%get3A_48, %get3A_49, %get3A_50, %get3A_51] : memref<2x3x384x384xf32, #tpu.memory_space<vmem>>, vector<1x3x384x384xf32>
    %get3A_53 = vector.shape_cast %get3A_52 : vector<1x3x384x384xf32> to vector<3x384x384xf32>
    %convert_element_type3A = arith.truncf %get3A_53 : vector<3x384x384xf32> to vector<3x384x384xbf16>
    %slice3A = vector.extract_strided_slice %convert_element_type3A {offsets = [0, 0, 0], sizes = [1, 384, 384], strides = [1, 1, 1]} : vector<3x384x384xbf16> to vector<1x384x384xbf16>
    %squeeze3A = vector.shape_cast %slice3A : vector<1x384x384xbf16> to vector<384x384xbf16>
    %reshape3A = vector.shape_cast %squeeze3A : vector<384x384xbf16> to vector<24x16x24x16xbf16>
    %transpose3A = tpu.transpose %reshape3A, [0, 2, 1, 3] : vector<24x16x24x16xbf16> -> vector<24x24x16x16xbf16>
    %reshape3A_54 = vector.shape_cast %transpose3A : vector<24x24x16x16xbf16> to vector<576x256xbf16>
    %get3A_55 = arith.constant 0 : index
    %get3A_56 = arith.constant 0 : index
    %get3A_57 = vector.load %arg7[%get3A_55, %get3A_56] : memref<768x768xbf16, #tpu.memory_space<vmem>>, vector<256x768xbf16>
    %dot_general3A = arith.constant dense<0.000000e+00> : vector<576x768xf32>
    %dot_general3A_58 = tpu.matmul %reshape3A_54, %get3A_57, %dot_general3A {dimension_numbers = #tpu.dot_dimension_numbers<[1], [0], [0], [1], [0, 0, 1, 1], [], []>, transpose_lhs_hint = false} : vector<576x256xbf16>, vector<256x768xbf16>, vector<576x768xf32> -> vector<576x768xf32>
    %slice3A_59 = vector.extract_strided_slice %convert_element_type3A {offsets = [1, 0, 0], sizes = [1, 384, 384], strides = [1, 1, 1]} : vector<3x384x384xbf16> to vector<1x384x384xbf16>
    %squeeze3A_60 = vector.shape_cast %slice3A_59 : vector<1x384x384xbf16> to vector<384x384xbf16>
    %reshape3A_61 = vector.shape_cast %squeeze3A_60 : vector<384x384xbf16> to vector<24x16x24x16xbf16>
    %transpose3A_62 = tpu.transpose %reshape3A_61, [0, 2, 1, 3] : vector<24x16x24x16xbf16> -> vector<24x24x16x16xbf16>
    %reshape3A_63 = vector.shape_cast %transpose3A_62 : vector<24x24x16x16xbf16> to vector<576x256xbf16>
    %get3A_64 = arith.constant 256 : index
    %get3A_65 = arith.constant 0 : index
    %get3A_66 = vector.load %arg7[%get3A_64, %get3A_65] : memref<768x768xbf16, #tpu.memory_space<vmem>>, vector<256x768xbf16>
    %dot_general3A_67 = arith.constant dense<0.000000e+00> : vector<576x768xf32>
    %dot_general3A_68 = tpu.matmul %reshape3A_63, %get3A_66, %dot_general3A_67 {dimension_numbers = #tpu.dot_dimension_numbers<[1], [0], [0], [1], [0, 0, 1, 1], [], []>, transpose_lhs_hint = false} : vector<576x256xbf16>, vector<256x768xbf16>, vector<576x768xf32> -> vector<576x768xf32>
    %add3A_69 = arith.addf %dot_general3A_58, %dot_general3A_68 : vector<576x768xf32>
    %slice3A_70 = vector.extract_strided_slice %convert_element_type3A {offsets = [2, 0, 0], sizes = [1, 384, 384], strides = [1, 1, 1]} : vector<3x384x384xbf16> to vector<1x384x384xbf16>
    %squeeze3A_71 = vector.shape_cast %slice3A_70 : vector<1x384x384xbf16> to vector<384x384xbf16>
    %reshape3A_72 = vector.shape_cast %squeeze3A_71 : vector<384x384xbf16> to vector<24x16x24x16xbf16>
    %transpose3A_73 = tpu.transpose %reshape3A_72, [0, 2, 1, 3] : vector<24x16x24x16xbf16> -> vector<24x24x16x16xbf16>
    %reshape3A_74 = vector.shape_cast %transpose3A_73 : vector<24x24x16x16xbf16> to vector<576x256xbf16>
    %get3A_75 = arith.constant 512 : index
    %get3A_76 = arith.constant 0 : index
    %get3A_77 = vector.load %arg7[%get3A_75, %get3A_76] : memref<768x768xbf16, #tpu.memory_space<vmem>>, vector<256x768xbf16>
    %dot_general3A_78 = arith.constant dense<0.000000e+00> : vector<576x768xf32>
    %dot_general3A_79 = tpu.matmul %reshape3A_74, %get3A_77, %dot_general3A_78 {dimension_numbers = #tpu.dot_dimension_numbers<[1], [0], [0], [1], [0, 0, 1, 1], [], []>, transpose_lhs_hint = false} : vector<576x256xbf16>, vector<256x768xbf16>, vector<576x768xf32> -> vector<576x768xf32>
    %add3A_80 = arith.addf %add3A_69, %dot_general3A_79 : vector<576x768xf32>
    %get3A_81 = arith.constant 0 : index
    %get3A_82 = arith.constant 0 : index
    %get3A_83 = vector.load %arg8[%get3A_81, %get3A_82] : memref<1x768xf32, #tpu.memory_space<vmem>>, vector<1x768xf32>
    %add3A_84 = vector.broadcast %get3A_83 : vector<1x768xf32> to vector<576x768xf32>
    %add3A_85 = arith.addf %add3A_80, %add3A_84 : vector<576x768xf32>
    %get3A_86 = arith.constant 1 : index
    %get3A_87 = arith.constant 0 : index
    %get3A_88 = vector.load %arg10[%get3A_86, %get3A_87] : memref<577x768xf32, #tpu.memory_space<vmem>>, vector<576x768xf32>
    %add3A_89 = arith.addf %add3A_85, %get3A_88 : vector<576x768xf32>
    %get3A_90 = arith.constant 1 : index
    %get3A_91 = arith.constant 0 : index
    %get3A_92 = vector.load %arg4[%get3A_90, %get3A_91] : memref<2x768xf32, #tpu.memory_space<vmem>>, vector<1x768xf32>
    %add3A_93 = vector.broadcast %get3A_92 : vector<1x768xf32> to vector<576x768xf32>
    %add3A_94 = arith.addf %add3A_89, %add3A_93 : vector<576x768xf32>
    %get3A_95 = arith.constant 0 : index
    %get3A_96 = arith.constant 0 : index
    %get3A_97 = vector.load %arg9[%get3A_95, %get3A_96] : memref<1x768xf32, #tpu.memory_space<vmem>>, vector<1x768xf32>
    %get3A_98 = arith.constant 0 : index
    %get3A_99 = arith.constant 0 : index
    %get3A_100 = vector.load %arg10[%get3A_98, %get3A_99] : memref<577x768xf32, #tpu.memory_space<vmem>>, vector<1x768xf32>
    %add3A_101 = arith.addf %get3A_97, %get3A_100 : vector<1x768xf32>
    %get3A_102 = arith.constant 1 : index
    %get3A_103 = arith.constant 0 : index
    %get3A_104 = vector.load %arg4[%get3A_102, %get3A_103] : memref<2x768xf32, #tpu.memory_space<vmem>>, vector<1x768xf32>
    %add3A_105 = arith.addf %add3A_101, %get3A_104 : vector<1x768xf32>
    %concatenate3A = tpu.concatenate %add3A_105, %add3A_94 in 0 : vector<1x768xf32>, vector<576x768xf32> -> vector<577x768xf32>
    %swap3A_106 = arith.constant 0 : index
    %swap3A_107 = arith.constant 40 : index
    %swap3A_108 = arith.constant 0 : index
    %swap3A_109 = vector.load %arg12[%swap3A_106, %swap3A_107, %swap3A_108] : memref<2x617x768xf32, #tpu.memory_space<vmem>>, vector<1x577x768xf32>
    %swap3A_110 = vector.shape_cast %swap3A_109 : vector<1x577x768xf32> to vector<577x768xf32>
    %swap3A_111 = vector.shape_cast %concatenate3A : vector<577x768xf32> to vector<1x577x768xf32>
    tpu.vector_store %arg12[%swap3A_106, %swap3A_107, %swap3A_108], %swap3A_111 {strides = array<i32>} : memref<2x617x768xf32, #tpu.memory_space<vmem>>, vector<1x577x768xf32>,
    %get3A_112 = arith.constant 1 : index
    %get3A_113 = arith.constant 0 : index
    %get3A_114 = arith.constant 0 : index
    %get3A_115 = vector.load %arg1[%get3A_112, %get3A_113, %get3A_114] : memref<2x40x768xf32, #tpu.memory_space<vmem>>, vector<1x40x768xf32>
    %get3A_116 = vector.shape_cast %get3A_115 : vector<1x40x768xf32> to vector<40x768xf32>
    %get3A_117 = arith.constant 0 : index
    %get3A_118 = arith.constant 0 : index
    %get3A_119 = vector.load %arg2[%get3A_117, %get3A_118] : memref<40x768xf32, #tpu.memory_space<vmem>>, vector<40x768xf32>
    %add3A_120 = arith.addf %get3A_116, %get3A_119 : vector<40x768xf32>
    %get3A_121 = arith.constant 0 : index
    %get3A_122 = arith.constant 0 : index
    %get3A_123 = vector.load %arg3[%get3A_121, %get3A_122] : memref<1x768xf32, #tpu.memory_space<vmem>>, vector<1x768xf32>
    %add3A_124 = vector.broadcast %get3A_123 : vector<1x768xf32> to vector<40x768xf32>
    %add3A_125 = arith.addf %add3A_120, %add3A_124 : vector<40x768xf32>
    %reduce_sum3A_126 = arith.constant dense<0.000000e+00> : vector<40xf32>
    %reduce_sum3A_127 = vector.multi_reduction <add>, %add3A_125, %reduce_sum3A_126 [1] : vector<40x768xf32> to vector<40xf32>
    %broadcast_in_dim3A_128 = vector.shape_cast %reduce_sum3A_127 : vector<40xf32> to vector<40x1xf32>
    %div3A_129 = arith.constant 7.680000e+02 : f32
    %div3A_130 = vector.broadcast %div3A_129 : f32 to vector<40x1xf32>
    %div3A_131 = arith.divf %broadcast_in_dim3A_128, %div3A_130 : vector<40x1xf32>
    %sub3A_132 = vector.broadcast %div3A_131 : vector<40x1xf32> to vector<40x768xf32>
    %sub3A_133 = arith.subf %add3A_125, %sub3A_132 : vector<40x768xf32>
    %integer_pow3A_134 = arith.mulf %sub3A_133, %sub3A_133 : vector<40x768xf32>
    %reduce_sum3A_135 = arith.constant dense<0.000000e+00> : vector<40xf32>
    %reduce_sum3A_136 = vector.multi_reduction <add>, %integer_pow3A_134, %reduce_sum3A_135 [1] : vector<40x768xf32> to vector<40xf32>
    %broadcast_in_dim3A_137 = vector.shape_cast %reduce_sum3A_136 : vector<40xf32> to vector<40x1xf32>
    %div3A_138 = arith.constant 7.680000e+02 : f32
    %div3A_139 = vector.broadcast %div3A_138 : f32 to vector<40x1xf32>
    %div3A_140 = arith.divf %broadcast_in_dim3A_137, %div3A_139 : vector<40x1xf32>
    %sub3A_141 = vector.broadcast %div3A_131 : vector<40x1xf32> to vector<40x768xf32>
    %sub3A_142 = arith.subf %add3A_125, %sub3A_141 : vector<40x768xf32>
    %add3A_143 = arith.constant 9.99999996E-13 : f32
    %add3A_144 = vector.broadcast %add3A_143 : f32 to vector<40x1xf32>
    %add3A_145 = arith.addf %div3A_140, %add3A_144 : vector<40x1xf32>
    %rsqrt3A_146 = math.rsqrt %add3A_145 : vector<40x1xf32>
    %mul3A_147 = vector.broadcast %rsqrt3A_146 : vector<40x1xf32> to vector<40x768xf32>
    %mul3A_148 = arith.mulf %sub3A_142, %mul3A_147 : vector<40x768xf32>
    %get3A_149 = arith.constant 0 : index
    %get3A_150 = arith.constant 0 : index
    %get3A_151 = vector.load %arg5[%get3A_149, %get3A_150] : memref<1x768xf32, #tpu.memory_space<vmem>>, vector<1x768xf32>
    %mul3A_152 = vector.broadcast %get3A_151 : vector<1x768xf32> to vector<40x768xf32>
    %mul3A_153 = arith.mulf %mul3A_148, %mul3A_152 : vector<40x768xf32>
    %get3A_154 = arith.constant 0 : index
    %get3A_155 = arith.constant 0 : index
    %get3A_156 = vector.load %arg6[%get3A_154, %get3A_155] : memref<1x768xf32, #tpu.memory_space<vmem>>, vector<1x768xf32>
    %add3A_157 = vector.broadcast %get3A_156 : vector<1x768xf32> to vector<40x768xf32>
    %add3A_158 = arith.addf %mul3A_153, %add3A_157 : vector<40x768xf32>
    %get3A_159 = arith.constant 0 : index
    %get3A_160 = arith.constant 0 : index
    %get3A_161 = vector.load %arg4[%get3A_159, %get3A_160] : memref<2x768xf32, #tpu.memory_space<vmem>>, vector<1x768xf32>
    %add3A_162 = vector.broadcast %get3A_161 : vector<1x768xf32> to vector<40x768xf32>
    %add3A_163 = arith.addf %add3A_158, %add3A_162 : vector<40x768xf32>
    %swap3A_164 = arith.constant 1 : index
    %swap3A_165 = arith.constant 0 : index
    %swap3A_166 = arith.constant 0 : index
    %swap3A_167 = vector.load %arg12[%swap3A_164, %swap3A_165, %swap3A_166] : memref<2x617x768xf32, #tpu.memory_space<vmem>>, vector<1x40x768xf32>
    %swap3A_168 = vector.shape_cast %swap3A_167 : vector<1x40x768xf32> to vector<40x768xf32>
    %swap3A_169 = vector.shape_cast %add3A_163 : vector<40x768xf32> to vector<1x40x768xf32>
    tpu.vector_store %arg12[%swap3A_164, %swap3A_165, %swap3A_166], %swap3A_169 {strides = array<i32>} : memref<2x617x768xf32, #tpu.memory_space<vmem>>, vector<1x40x768xf32>,
    %get3A_170 = arith.constant 1 : index
    %get3A_171 = arith.constant 0 : index
    %get3A_172 = arith.constant 0 : index
    %get3A_173 = arith.constant 0 : index
    %get3A_174 = vector.load %arg11[%get3A_170, %get3A_171, %get3A_172, %get3A_173] : memref<2x3x384x384xf32, #tpu.memory_space<vmem>>, vector<1x3x384x384xf32>
    %get3A_175 = vector.shape_cast %get3A_174 : vector<1x3x384x384xf32> to vector<3x384x384xf32>
    %convert_element_type3A_176 = arith.truncf %get3A_175 : vector<3x384x384xf32> to vector<3x384x384xbf16>
    %slice3A_177 = vector.extract_strided_slice %convert_element_type3A_176 {offsets = [0, 0, 0], sizes = [1, 384, 384], strides = [1, 1, 1]} : vector<3x384x384xbf16> to vector<1x384x384xbf16>
    %squeeze3A_178 = vector.shape_cast %slice3A_177 : vector<1x384x384xbf16> to vector<384x384xbf16>
    %reshape3A_179 = vector.shape_cast %squeeze3A_178 : vector<384x384xbf16> to vector<24x16x24x16xbf16>
    %transpose3A_180 = tpu.transpose %reshape3A_179, [0, 2, 1, 3] : vector<24x16x24x16xbf16> -> vector<24x24x16x16xbf16>
    %reshape3A_181 = vector.shape_cast %transpose3A_180 : vector<24x24x16x16xbf16> to vector<576x256xbf16>
    %get3A_182 = arith.constant 0 : index
    %get3A_183 = arith.constant 0 : index
    %get3A_184 = vector.load %arg7[%get3A_182, %get3A_183] : memref<768x768xbf16, #tpu.memory_space<vmem>>, vector<256x768xbf16>
    %dot_general3A_185 = arith.constant dense<0.000000e+00> : vector<576x768xf32>
    %dot_general3A_186 = tpu.matmul %reshape3A_181, %get3A_184, %dot_general3A_185 {dimension_numbers = #tpu.dot_dimension_numbers<[1], [0], [0], [1], [0, 0, 1, 1], [], []>, transpose_lhs_hint = false} : vector<576x256xbf16>, vector<256x768xbf16>, vector<576x768xf32> -> vector<576x768xf32>
    %slice3A_187 = vector.extract_strided_slice %convert_element_type3A_176 {offsets = [1, 0, 0], sizes = [1, 384, 384], strides = [1, 1, 1]} : vector<3x384x384xbf16> to vector<1x384x384xbf16>
    %squeeze3A_188 = vector.shape_cast %slice3A_187 : vector<1x384x384xbf16> to vector<384x384xbf16>
    %reshape3A_189 = vector.shape_cast %squeeze3A_188 : vector<384x384xbf16> to vector<24x16x24x16xbf16>
    %transpose3A_190 = tpu.transpose %reshape3A_189, [0, 2, 1, 3] : vector<24x16x24x16xbf16> -> vector<24x24x16x16xbf16>
    %reshape3A_191 = vector.shape_cast %transpose3A_190 : vector<24x24x16x16xbf16> to vector<576x256xbf16>
    %get3A_192 = arith.constant 256 : index
    %get3A_193 = arith.constant 0 : index
    %get3A_194 = vector.load %arg7[%get3A_192, %get3A_193] : memref<768x768xbf16, #tpu.memory_space<vmem>>, vector<256x768xbf16>
    %dot_general3A_195 = arith.constant dense<0.000000e+00> : vector<576x768xf32>
    %dot_general3A_196 = tpu.matmul %reshape3A_191, %get3A_194, %dot_general3A_195 {dimension_numbers = #tpu.dot_dimension_numbers<[1], [0], [0], [1], [0, 0, 1, 1], [], []>, transpose_lhs_hint = false} : vector<576x256xbf16>, vector<256x768xbf16>, vector<576x768xf32> -> vector<576x768xf32>
    %add3A_197 = arith.addf %dot_general3A_186, %dot_general3A_196 : vector<576x768xf32>
    %slice3A_198 = vector.extract_strided_slice %convert_element_type3A_176 {offsets = [2, 0, 0], sizes = [1, 384, 384], strides = [1, 1, 1]} : vector<3x384x384xbf16> to vector<1x384x384xbf16>
    %squeeze3A_199 = vector.shape_cast %slice3A_198 : vector<1x384x384xbf16> to vector<384x384xbf16>
    %reshape3A_200 = vector.shape_cast %squeeze3A_199 : vector<384x384xbf16> to vector<24x16x24x16xbf16>
    %transpose3A_201 = tpu.transpose %reshape3A_200, [0, 2, 1, 3] : vector<24x16x24x16xbf16> -> vector<24x24x16x16xbf16>
    %reshape3A_202 = vector.shape_cast %transpose3A_201 : vector<24x24x16x16xbf16> to vector<576x256xbf16>
    %get3A_203 = arith.constant 512 : index
    %get3A_204 = arith.constant 0 : index
    %get3A_205 = vector.load %arg7[%get3A_203, %get3A_204] : memref<768x768xbf16, #tpu.memory_space<vmem>>, vector<256x768xbf16>
    %dot_general3A_206 = arith.constant dense<0.000000e+00> : vector<576x768xf32>
    %dot_general3A_207 = tpu.matmul %reshape3A_202, %get3A_205, %dot_general3A_206 {dimension_numbers = #tpu.dot_dimension_numbers<[1], [0], [0], [1], [0, 0, 1, 1], [], []>, transpose_lhs_hint = false} : vector<576x256xbf16>, vector<256x768xbf16>, vector<576x768xf32> -> vector<576x768xf32>
    %add3A_208 = arith.addf %add3A_197, %dot_general3A_207 : vector<576x768xf32>
    %get3A_209 = arith.constant 0 : index
    %get3A_210 = arith.constant 0 : index
    %get3A_211 = vector.load %arg8[%get3A_209, %get3A_210] : memref<1x768xf32, #tpu.memory_space<vmem>>, vector<1x768xf32>
    %add3A_212 = vector.broadcast %get3A_211 : vector<1x768xf32> to vector<576x768xf32>
    %add3A_213 = arith.addf %add3A_208, %add3A_212 : vector<576x768xf32>
    %get3A_214 = arith.constant 1 : index
    %get3A_215 = arith.constant 0 : index
    %get3A_216 = vector.load %arg10[%get3A_214, %get3A_215] : memref<577x768xf32, #tpu.memory_space<vmem>>, vector<576x768xf32>
    %add3A_217 = arith.addf %add3A_213, %get3A_216 : vector<576x768xf32>
    %get3A_218 = arith.constant 1 : index
    %get3A_219 = arith.constant 0 : index
    %get3A_220 = vector.load %arg4[%get3A_218, %get3A_219] : memref<2x768xf32, #tpu.memory_space<vmem>>, vector<1x768xf32>
    %add3A_221 = vector.broadcast %get3A_220 : vector<1x768xf32> to vector<576x768xf32>
    %add3A_222 = arith.addf %add3A_217, %add3A_221 : vector<576x768xf32>
    %get3A_223 = arith.constant 0 : index
    %get3A_224 = arith.constant 0 : index
    %get3A_225 = vector.load %arg9[%get3A_223, %get3A_224] : memref<1x768xf32, #tpu.memory_space<vmem>>, vector<1x768xf32>
    %get3A_226 = arith.constant 0 : index
    %get3A_227 = arith.constant 0 : index
    %get3A_228 = vector.load %arg10[%get3A_226, %get3A_227] : memref<577x768xf32, #tpu.memory_space<vmem>>, vector<1x768xf32>
    %add3A_229 = arith.addf %get3A_225, %get3A_228 : vector<1x768xf32>
    %get3A_230 = arith.constant 1 : index
    %get3A_231 = arith.constant 0 : index
    %get3A_232 = vector.load %arg4[%get3A_230, %get3A_231] : memref<2x768xf32, #tpu.memory_space<vmem>>, vector<1x768xf32>
    %add3A_233 = arith.addf %add3A_229, %get3A_232 : vector<1x768xf32>
    %concatenate3A_234 = tpu.concatenate %add3A_233, %add3A_222 in 0 : vector<1x768xf32>, vector<576x768xf32> -> vector<577x768xf32>
    %swap3A_235 = arith.constant 1 : index
    %swap3A_236 = arith.constant 40 : index
    %swap3A_237 = arith.constant 0 : index
    %swap3A_238 = vector.load %arg12[%swap3A_235, %swap3A_236, %swap3A_237] : memref<2x617x768xf32, #tpu.memory_space<vmem>>, vector<1x577x768xf32>
    %swap3A_239 = vector.shape_cast %swap3A_238 : vector<1x577x768xf32> to vector<577x768xf32>
    %swap3A_240 = vector.shape_cast %concatenate3A_234 : vector<577x768xf32> to vector<1x577x768xf32>
    tpu.vector_store %arg12[%swap3A_235, %swap3A_236, %swap3A_237], %swap3A_240 {strides = array<i32>} : memref<2x617x768xf32, #tpu.memory_space<vmem>>, vector<1x577x768xf32>,
    return
  }
  func.func @transform_0(%arg0: i32) -> (i32, i32, i32) {
    %c0_i32 = arith.constant 0 : i32
    %c0_i32_0 = arith.constant 0 : i32
    %c0_i32_1 = arith.constant 0 : i32
    return %arg0, %c0_i32, %c0_i32_0 : i32, i32, i32
  }
  func.func @transform_1(%arg0: i32) -> (i32, i32) {
    %c0_i32 = arith.constant 0 : i32
    %c0_i32_0 = arith.constant 0 : i32
    %c0_i32_1 = arith.constant 0 : i32
    return %c0_i32, %c0_i32_0 : i32, i32
  }
  func.func @transform_2(%arg0: i32) -> (i32, i32) {
    %c0_i32 = arith.constant 0 : i32
    %c0_i32_0 = arith.constant 0 : i32
    %c0_i32_1 = arith.constant 0 : i32
    return %c0_i32, %c0_i32_0 : i32, i32
  }
  func.func @transform_3(%arg0: i32) -> (i32, i32) {
    %c0_i32 = arith.constant 0 : i32
    %c0_i32_0 = arith.constant 0 : i32
    %c0_i32_1 = arith.constant 0 : i32
    return %c0_i32, %c0_i32_0 : i32, i32
  }
  func.func @transform_4(%arg0: i32) -> (i32, i32) {
    %c0_i32 = arith.constant 0 : i32
    %c0_i32_0 = arith.constant 0 : i32
    %c0_i32_1 = arith.constant 0 : i32
    return %c0_i32, %c0_i32_0 : i32, i32
  }
  func.func @transform_5(%arg0: i32) -> (i32, i32) {
    %c0_i32 = arith.constant 0 : i32
    %c0_i32_0 = arith.constant 0 : i32
    %c0_i32_1 = arith.constant 0 : i32
    return %c0_i32, %c0_i32_0 : i32, i32
  }
  func.func @transform_6(%arg0: i32) -> (i32, i32) {
    %c0_i32 = arith.constant 0 : i32
    %c0_i32_0 = arith.constant 0 : i32
    %c0_i32_1 = arith.constant 0 : i32
    return %c0_i32, %c0_i32_0 : i32, i32
  }
  func.func @transform_7(%arg0: i32) -> (i32, i32) {
    %c0_i32 = arith.constant 0 : i32
    %c0_i32_0 = arith.constant 0 : i32
    %c0_i32_1 = arith.constant 0 : i32
    return %c0_i32, %c0_i32_0 : i32, i32
  }
  func.func @transform_8(%arg0: i32) -> (i32, i32) {
    %c0_i32 = arith.constant 0 : i32
    %c0_i32_0 = arith.constant 0 : i32
    %c0_i32_1 = arith.constant 0 : i32
    return %c0_i32, %c0_i32_0 : i32, i32
  }
  func.func @transform_9(%arg0: i32) -> (i32, i32) {
    %c0_i32 = arith.constant 0 : i32
    %c0_i32_0 = arith.constant 0 : i32
    %c0_i32_1 = arith.constant 0 : i32
    return %c0_i32, %c0_i32_0 : i32, i32
  }
  func.func @transform_10(%arg0: i32) -> (i32, i32, i32, i32) {
    %c0_i32 = arith.constant 0 : i32
    %c0_i32_0 = arith.constant 0 : i32
    %c0_i32_1 = arith.constant 0 : i32
    %c0_i32_2 = arith.constant 0 : i32
    return %arg0, %c0_i32, %c0_i32_0, %c0_i32_1 : i32, i32, i32, i32
  }
  func.func @transform_11(%arg0: i32) -> (i32, i32, i32) {
    %c0_i32 = arith.constant 0 : i32
    %c0_i32_0 = arith.constant 0 : i32
    %c0_i32_1 = arith.constant 0 : i32
    return %arg0, %c0_i32, %c0_i32_0 : i32, i32, i32
  }
}

</mosaic_0001>

<sc_bundles>
// kernel: kernel.4.cloned.1.call-start
scs
__scs_entry_jumppad:
0x0: {  	(pc) =	sbr.rel $0x88, $3  }
0x1: {  	(tag) =	ssettag $0x0;
	lr =	simm.s32 $0x1  }
0x2: {  	[smem:$0x3F94] =	sst lr;
	_ =	strace $0xD0000000  }
0x3: {  	_ = 	snop  }
0x4: {  	_ = 	snop  }
0x5: {  	_ = 	snop  }
0x6: {  	_ = 	snop  }
0x7: {  	_ = 	snop  }
__scs_overlays_trampoline_lowered:
0x8: {  	[smem:$0x3FA3] =	sst s0  }
0x9: {  	[smem:$0x3FA4] =	sst s1  }
0xa: {  	[smem:$0x3FA5] =	sst s2  }
0xb: {  	[smem:$0x3FA6] =	sst s3  }
0xc: {  	[smem:$0x3FA7] =	sst s4  }
0xd: {  	[smem:$0x3FA8] =	sst s5  }
0xe: {  	[smem:$0x3FA9] =	sst s6  }
0xf: {  	[smem:$0x3FAA] =	sst s7  }
0x10: {  	[smem:$0x3FAB] =	sst s8  }
0x11: {  	[smem:$0x3FAC] =	sst s9;
	s0 =	simm.s32 @!p0 $0x0  }
0x12: {  	s1 =	sld [smem:$0x3F92];
	s0 =	simm.s32 @p0 $0x1  }
0x13: {  	[smem:$0x3FAD] =	sst s0;
	s0 =	simm.s32 @!p1 $0x0  }
0x14: {  	s2 =	sld [smem:$0x3F91];
	s0 =	simm.s32 @p1 $0x1  }
0x15: {  	[smem:$0x3FAE] =	sst s0;
	s0 =	simm.s32 @!p2 $0x0  }
0x16: {  	s3 =	sld [smem:$0x3FDB];
	s0 =	simm.s32 @p2 $0x1  }
0x17: {  	s4 =	simm.s32 $0x1BF5;
	[smem:$0x3FB0] =	sst s0  }
0x18: {  	s0 =	sld [smem:$0x3F93];
	_ =	swait.ge [sflag:s4], $0x0  }
0x19: {  	s7 =	sld [smem:$0x3F94]  }
0x1a: {  	s8 =	sadd.s32 $0xFFFFE003, lr  }
0x1b: {  	s9 =	sadd.s32 $0xFFFFFEF7, lr;
	s5 =	simm.s32 $0xFFFFFFFF;
	p2 =	slt.u32 s8, $0xFFFFF086  }
0x1c: {  	p1 =	slt.u32 s9, $0xF7A;
	s5 =	simm.s32 @!p2 $0x0  }
0x1d: {  	s5 =	simm.s32 @p1 $0x1;
	p0 =	seq.s32 s7, s2  }
0x1e: {  	s7 =	smul.u32 @!p0 $0xF7A, s2;
	p2 =	seq.s32 @!p0 s5, $0x0  }
0x1f: {  	s9 =	smul.u32 $0xF7A, s1;
	s8 =	simm.s32 @!p0 $0x1BF5;
	p2 =	por !p2, p0  }
0x20: {  	[sflag:s8] =	ssyncset.s32 @!p0 $0xFFFFF086;
	s6 =	sadd.s32 @!p0 s3, s7;
	s7 =	simm.s32 @!p0 $0x108  }
0x21: {  	s3 =	sadd.s32 s3, s9;
	s6 =	sadd.s32 @!p0 $0x88, s6;
	s7 =	simm.s32 @p2 $0x1082  }
0x22: {  	[simem:s7], [sflag:s8] =	dma.local @!p0 [hbm:s6], $0xF7A  }
0x23: {  	s9 =	sor.u32 $0xD0000000, s2;
	s6 =	simm.s32 $0x108;
	_ =	swait.ge @!p0 [sflag:s8], $0x0  }
0x24: {  	s3 =	sadd.s32 $0x88, s3;
	s6 =	simm.s32 @!p1 $0x1082;
	[sflag:s4] =	ssyncset.s32 $0xFFFFF086  }
0x25: {  	[simem:s6], [sflag:s4] =	dma.local [hbm:s3], $0xF7A  }
0x26: {  	[smem:$0x3F94] =	sst s1;
	(tag) =	ssettag s2;
	_ =	strace s9  }
0x27: {  	s1 =	sld [smem:$0x3FA4]  }
0x28: {  	s2 =	sld [smem:$0x3FA5]  }
0x29: {  	s4 =	sld [smem:$0x3FA7]  }
0x2a: {  	p0 =	seq.s32 s5, $0x0;
	s5 =	sld [smem:$0x3FA8]  }
0x2b: {  	s6 =	sld [smem:$0x3FA9]  }
0x2c: {  	s7 =	sld [smem:$0x3FAA]  }
0x2d: {  	s3 =	simm.s32 $0x108;
	s8 =	sld [smem:$0x3FAB]  }
0x2e: {  	s3 =	simm.s32 @!p0 $0x1082;
	s9 =	sld [smem:$0x3FAC]  }
0x2f: {  	lr =	sadd.s32 s0, s3;
	s0 =	sld [smem:$0x3FA3]  }
0x30: {  	s3 =	sld [smem:$0x3FA6]  }
0x31: {  	[smem:$0x3FAF] =	sst s10  }
0x32: {  	s10 =	sld [smem:$0x3FAD];
	_ =	sdelay $0x3  }
0x33: {  	p0 =	seq.s32 s10, $0x1;
	s10 =	sld [smem:$0x3FAF];
	_ =	sdelay $0x3  }
0x34: {  	[smem:$0x3FAF] =	sst s10  }
0x35: {  	s10 =	sld [smem:$0x3FAE];
	_ =	sdelay $0x3  }
0x36: {  	p1 =	seq.s32 s10, $0x1;
	s10 =	sld [smem:$0x3FAF];
	_ =	sdelay $0x3  }
0x37: {  	[smem:$0x3FAF] =	sst s10  }
0x38: {  	s10 =	sld [smem:$0x3FB0]  }
0x39: {  	_ = 	snop;
	(pc) =	sbr.ind lr, $3  }
0x3a: {  	_ = 	snop  }
0x3b: {  	_ = 	snop  }
0x3c: {  	p2 =	seq.s32 s10, $0x1;
	s10 =	sld [smem:$0x3FAF]  }
0x3d: {  	_ =	shalt  }
0x3e: {  	_ =	shalt  }
0x3f: {  	_ =	shalt  }
0x40: {  	_ =	shalt  }
0x41: {  	_ =	shalt  }
0x42: {  	_ =	shalt  }
0x43: {  	_ =	shalt  }
0x44: {  	_ =	shalt  }
0x45: {  	_ =	shalt  }
0x46: {  	_ =	shalt  }
0x47: {  	_ =	shalt  }
0x48: {  	_ =	shalt  }
0x49: {  	_ =	shalt  }
0x4a: {  	_ =	shalt  }
0x4b: {  	_ =	shalt  }
0x4c: {  	_ =	shalt  }
0x4d: {  	_ =	shalt  }
0x4e: {  	_ =	shalt  }
0x4f: {  	_ =	shalt  }
0x50: {  	_ =	shalt  }
0x51: {  	_ =	shalt  }
0x52: {  	_ =	shalt  }
0x53: {  	_ =	shalt  }
0x54: {  	_ =	shalt  }
0x55: {  	_ =	shalt  }
0x56: {  	_ =	shalt  }
0x57: {  	_ =	shalt  }
0x58: {  	_ =	shalt  }
0x59: {  	_ =	shalt  }
0x5a: {  	_ =	shalt  }
0x5b: {  	_ =	shalt  }
0x5c: {  	_ =	shalt  }
0x5d: {  	_ =	shalt  }
0x5e: {  	_ =	shalt  }
0x5f: {  	_ =	shalt  }
0x60: {  	_ =	shalt  }
0x61: {  	_ =	shalt  }
0x62: {  	_ =	shalt  }
0x63: {  	_ =	shalt  }
0x64: {  	_ =	shalt  }
0x65: {  	_ =	shalt  }
0x66: {  	_ =	shalt  }
0x67: {  	_ =	shalt  }
0x68: {  	_ =	shalt  }
0x69: {  	_ =	shalt  }
0x6a: {  	_ =	shalt  }
0x6b: {  	_ =	shalt  }
0x6c: {  	_ =	shalt  }
0x6d: {  	_ =	shalt  }
0x6e: {  	_ =	shalt  }
0x6f: {  	_ =	shalt  }
0x70: {  	_ =	shalt  }
0x71: {  	_ =	shalt  }
0x72: {  	_ =	shalt  }
0x73: {  	_ =	shalt  }
0x74: {  	_ =	shalt  }
0x75: {  	_ =	shalt  }
0x76: {  	_ =	shalt  }
0x77: {  	_ =	shalt  }
0x78: {  	_ =	shalt  }
0x79: {  	_ =	shalt  }
0x7a: {  	_ =	shalt  }
0x7b: {  	_ =	shalt  }
0x7c: {  	_ =	shalt  }
0x7d: {  	_ =	shalt  }
0x7e: {  	_ =	shalt  }
0x7f: {  	_ =	shalt  }
0x80: {  	_ =	shalt  }
0x81: {  	_ =	shalt  }
0x82: {  	_ =	shalt  }
0x83: {  	_ =	shalt  }
0x84: {  	_ =	shalt  }
0x85: {  	_ =	shalt  }
0x86: {  	_ =	shalt  }
0x87: {  	_ =	shalt  }
.Lfunc_end0:
.L_simem_size_0:
called_computation_lowered:
.L_overlay_start_0:
0x88: {  	s2 =	sld [smem:$0x3FD9]  }
0x89: {  	s3 =	sld [smem:$0x3FFE];
	_ =	sdelay $0x1  }
0x8a: {  	s1 =	srdreg.scid  }
0x8b: {  	s0 =	sand.u32 $0x1, s1  }
0x8c: {  	s14 =	sshll.u32 s0, $0xA;
	s2 =	sadd.s32 s3, s2  }
0x8d: {  	s2 =	sadd.s32 s2, s14  }
0x8e: {  	[smem:$0x3FBB] =	sst s2  }
0x8f: {  	_ = 	snop  }
0x90: {  	s2 =	sld [smem:$0x3FD0];
	_ =	sdelay $0x2  }
0x91: {  	s4 =	simm.s32 $0xA;
	s5 =	simm.s32 $0x10;
	s15 =	sld [smem:$0x3FC6]  }
0x92: {  	[smem:s5], [sflag:s4] =	dma.local [hbm:s2], $0x1  }
0x93: {  	_ =	swait.eq [sflag:s4], $0x1  }
0x94: {  	[sflag:s4] =	ssyncset.done $0x0  }
0x95: {  	[sflag:s4] =	ssyncadd.s32 $0xFFFFFFFF  }
0x96: {  	s16 =	sld [smem:$0x10];
	(tm) =	ssettm $0x1  }
0x97: {  	s17 =	sld [smem:$0x3FFB];
	_ =	sdelay $0x3  }
0x98: {  	_ =	strace s17  }
0x99: {  	s4 =	sld [smem:$0x3FFC];
	_ =	sdelay $0x3  }
0x9a: {  	_ =	strace s4  }
0x9b: {  	s4 =	sld [smem:$0x3FFD];
	_ =	sdelay $0x3  }
0x9c: {  	_ =	strace s4  }
0x9d: {  	_ =	strace $0x8FFFFFFF  }
0x9e: {  	s18 =	sld [smem:$0x3FDB];
	_ =	sdelay $0x1  }
0x9f: {  	s19 =	simm.s32 $_scs_section_size  }
0xa0: {  	s6 =	simm.s32 $_size__tile_overlayer_lowered;
	s7 =	simm.s32 $_tile_overlayer_lowered  }
0xa1: {  	s22 =	simm.s32 $0x1BFF;
	s21 =	sshll.u32 s7, $0x1;
	s4 =	sadd.s32 s19, s18  }
0xa2: {  	s8 =	simm.s32 $0x0;
	s20 =	sshll.u32 s6, $0x1;
	s6 =	sadd.s32 s21, s4  }
0xa3: {  	[timem:s8], [sflag:s22] =	dma.local [hbm:s6], s20  }
0xa4: {  	_ =	swait.ge [sflag:s22], s20  }
0xa5: {  	s5 =	ssub.s32 $0x0, s20;
	[sflag:s22] =	ssyncset.done $0x0  }
0xa6: {  	[sflag:s22] =	ssyncadd.s32 s5;
	_ =	sdelay $0x1  }
0xa7: {  	s23 =	simm.s32 $0x1B8B  }
0xa8: {  	_ =	swait.ge [sflag:s23], $0x1  }
0xa9: {  	[sflag:s23] =	ssyncset.done $0x0  }
0xaa: {  	s25 =	simm.s32 $0x1B8E;
	s24 =	sld [smem:$0x3FFE];
	[sflag:s23] =	ssyncadd.s32 $0xFFFFFFFF  }
0xab: {  	s26 =	simm.s32 $execute0_lowered;
	[smem:$0x3FD2] =	sst s25  }
0xac: {  	s6 =	sshll.u32 s26, $0x1;
	_ =	strace $0x80000046;
	[dreg:$0x1] =	wrdreg $0xFFFFFFFF  }
0xad: {  	s28 =	simm.s32 $_size_execute0_lowered;
	s4 =	sadd.s32 s4, s6;
	[dreg:$0x0] =	wrdreg $0x0  }
0xae: {  	s6 =	sshll.u32 s28, $0x1;
	[dreg:$0x2] =	wrdreg s4  }
0xaf: {  	[dreg:$0x3] =	wrdreg s6  }
0xb0: {  	[dreg:$0x4] =	wrdreg $0xC0  }
0xb1: {  	_ =	task [dreg:s8], $0x5FFFF  }
0xb2: {  	[dreg:$0x1] =	wrdreg $0xFFFFFFFF  }
0xb3: {  	[dreg:$0x0] =	wrdreg $0x60  }
0xb4: {  	[dreg:$0x2] =	wrdreg s15  }
0xb5: {  	[dreg:$0x3] =	wrdreg s24  }
0xb6: {  	[dreg:$0x4] =	wrdreg s16  }
0xb7: {  	[dreg:$0x5] =	wrdreg $0x9  }
0xb8: {  	_ =	task.clear_ibuf [dreg:s8], $0x6FFFF;
	_ =	strace $0x90000046  }
0xb9: {  	s29 =	simm.s32 $0x9;
	_ =	strace $0x80000048  }
0xba: {  	_ =	swait.ge [sflag:s29], $0x1  }
0xbb: {  	[sflag:s29] =	ssyncadd.s32 $0xFFFFFFFF  }
0xbc: {  	_ =	strace $0x90000048  }
0xbd: {  	_ =	sfence  }
0xbe: {  	s30 =	sld [smem:$0x0];
	_ =	sdelay $0x2  }
0xbf: {  	s31 =	sshll.u32 s1, $0xD;
	s1 =	sshrl.u32 s1, $0x2  }
0xc0: {  	s3 =	sand.u32 $0x4000, s31;
	s1 =	sadd.s32 s1, s30  }
0xc1: {  	s0 =	sor.u32 s3, s0;
	s1 =	sshll.u32 s1, $0x11  }
0xc2: {  	s0 =	sor.u32 s1, s0  }
0xc3: {  	s0 =	sadd.s32 $0x8F2B, s0  }
0xc4: {  	[sflag:s0] =	ssyncadd.remote.s32 $0x1  }
0xc5: {  	_ =	sfence.sel $0xFFFF  }
0xc6: {  	[dreg:$0x0] =	wrdreg $0xFFFFFFFF;
	(pc) =	sbr.abs _section_cstart, $3  }
0xc7: {  	[dreg:$0x1] =	wrdreg $0xFFFFFFFF  }
0xc8: {  	_ =	task.clear_ibuf [dreg:s8], $0x2FFFF;
	_ =	strace $0x9FFFFFFF  }
0xc9: {  	(tm) =	ssettm $0x7FFFFFFF  }
tec
execute0_lowered:
.L_overlay_start_1:
0x0: {  	(tag) =	ssettag $0x1  }
0x1: {  	s1 =	rddreg [dreg:$0x0];
	s2 =	srdreg.scid  }
0x2: {  	s0 =	stileid.u32;
	s4 =	rddreg [dreg:$0x1]  }
0x3: {  	s7 =	rddreg [dreg:$0x2];
	s3 =	simm.s32 $0x0;
	s10 =	simm.s32 $0x80  }
0x4: {  	s11 =	simm.s32 $0x880;
	s12 =	simm.s32 $0x1080;
	s13 =	simm.s32 $0x1880  }
0x5: {  	s14 =	simm.s32 $0x2080;
	s15 =	simm.s32 $0x2880;
	s16 =	simm.s32 $0x3080  }
0x6: {  	s17 =	simm.s32 $0x3880;
	s18 =	simm.s32 $0x4080;
	s19 =	simm.s32 $0x4880  }
0x7: {  	s20 =	simm.s32 $0x5080;
	s21 =	simm.s32 $0x5880;
	s22 =	simm.s32 $0x6080  }
0x8: {  	s23 =	simm.s32 $0x6880;
	s5 =	sand.u32 $0x1, s2;
	s30 =	sshll.u32 s0, $0x1  }
0x9: {  	s24 =	simm.s32 $0x7080;
	s2 =	rddreg [dreg:$0x3];
	s6 =	sor.u32 s5, s30  }
0xa: {  	s25 =	simm.s32 $0x1;
	[smem:$0x7FF] =	sst s3;
	s8 =	smul.u32 $0x5, s6  }
0xb: {  	s5 =	ssub.s32 $0x2, s5;
	_ =	strace $0x80000047;
	s9 =	smul.u32 $0xF00, s6  }
0xc: {  	v2 =	vlaneseq.u32;
	s31 =	sshrl.u32 s5, $0x1;
	s6 =	sadd.s32 $0x200, s1;
	s4 =	sadd.s32 s8, s4  }
0xd: {  	vm0 =	vmmov $0xffff;
	v1 =	vshrl.u32 v2, $0x3;
	s8 =	ssub.s32 s5, s31;
	s5 =	sadd.s32 $0x100, s1;
	s7 =	sadd.s32 s7, s9  }
0xe: {  	v0 =	vand.u32 $0x7, v2;
	v2 =	vor.u32 $0x8, v2;
	v1 =	vmul.u32 $0x8, v1;
	s9 =	simm.s32 $0x2;
	s4 =	sadd.s32 $0x1A00, s4;
	s8 =	smax.u32 s8, $0x1  }
.LBB2_1:
0xf: {  	[tilespmem:s3], [sflag:$0x2] =	stream.linear.gather [hbm4b:s4+s3], $0x28, $0x38;
	[tilespmem:$0x7880] =	vst v63  }
0x10: {  	_ =	swait.ge [sflag:s9], $0x28  }
0x11: {  	[sflag:s9] =	ssyncset.done $0x0  }
0x12: {  	[sflag:s9] =	ssyncadd.s32 $0xFFFFFFD8  }
0x13: {  	v3 =	vld [tilespmem:$0x0];
	_ =	sdelay $0x4  }
0x14: {  	v4 =	vshrl.u32 v3, $0x3  }
0x15: {  	v4 =	vmul.u32 $0x30, v4  }
0x16: {  	v3 =	vand.u32 $0x7, v3  }
0x17: {  	v3 =	vor.u32 v3, v4  }
0x18: {  	v4 =	vperm.xlane v3, v0;
	_ =	sdelay $0x1  }
0x19: {  	v4 =	vadd.s32 v1, v4;
	_ =	sdelay $0x3  }
0x1a: {  	v3 =	vperm.xlane v3, v2  }
0x1b: {  	[tilespmem:s10], [sflag:$0x1] =	stream.indirect_vreg.gather [hbm4b:s1+s3], $0x80, v4, vm0, $0xb8;
	[tilespmem:$0x7880] =	vst v63  }
0x1c: {  	v3 =	vadd.s32 v1, v3  }
0x1d: {  	[tilespmem:s11], [sflag:$0x1] =	stream.indirect_vreg.gather [hbm4b:s5+s3], $0x80, v4, vm0, $0xb8;
	[tilespmem:$0x7880] =	vst v63  }
0x1e: {  	_ = 	snop  }
0x1f: {  	[tilespmem:s12], [sflag:$0x1] =	stream.indirect_vreg.gather [hbm4b:s6+s3], $0x80, v4, vm0, $0xb8;
	[tilespmem:$0x7880] =	vst v63  }
0x20: {  	_ = 	snop  }
0x21: {  	[tilespmem:s13], [sflag:$0x1] =	stream.indirect_vreg.gather [hbm4b:s1+s3], $0x80, v3, vm0, $0xb8;
	[tilespmem:$0x7880] =	vst v63  }
0x22: {  	_ = 	snop  }
0x23: {  	[tilespmem:s14], [sflag:$0x1] =	stream.indirect_vreg.gather [hbm4b:s5+s3], $0x80, v3, vm0, $0xb8;
	[tilespmem:$0x7880] =	vst v63  }
0x24: {  	_ = 	snop  }
0x25: {  	[tilespmem:s15], [sflag:$0x1] =	stream.indirect_vreg.gather [hbm4b:s6+s3], $0x80, v3, vm0, $0xb8;
	[tilespmem:$0x7880] =	vst v63  }
0x26: {  	v3 =	vld [tilespmem:$0x10];
	_ =	sdelay $0x4  }
0x27: {  	v62 =	vshrl.u32 v3, $0x3  }
0x28: {  	v4 =	vmul.u32 $0x30, v62  }
0x29: {  	v3 =	vand.u32 $0x7, v3  }
0x2a: {  	v3 =	vor.u32 v3, v4  }
0x2b: {  	v4 =	vperm.xlane v3, v0;
	_ =	sdelay $0x1  }
0x2c: {  	v4 =	vadd.s32 v1, v4;
	_ =	sdelay $0x3  }
0x2d: {  	v3 =	vperm.xlane v3, v2  }
0x2e: {  	[tilespmem:s16], [sflag:$0x1] =	stream.indirect_vreg.gather [hbm4b:s1+s3], $0x80, v4, vm0, $0xb8;
	[tilespmem:$0x7880] =	vst v63  }
0x2f: {  	v3 =	vadd.s32 v1, v3  }
0x30: {  	[tilespmem:s17], [sflag:$0x1] =	stream.indirect_vreg.gather [hbm4b:s5+s3], $0x80, v4, vm0, $0xb8;
	[tilespmem:$0x7880] =	vst v63  }
0x31: {  	_ = 	snop  }
0x32: {  	[tilespmem:s18], [sflag:$0x1] =	stream.indirect_vreg.gather [hbm4b:s6+s3], $0x80, v4, vm0, $0xb8;
	[tilespmem:$0x7880] =	vst v63  }
0x33: {  	_ = 	snop  }
0x34: {  	[tilespmem:s19], [sflag:$0x1] =	stream.indirect_vreg.gather [hbm4b:s1+s3], $0x80, v3, vm0, $0xb8;
	[tilespmem:$0x7880] =	vst v63  }
0x35: {  	_ = 	snop  }
0x36: {  	[tilespmem:s20], [sflag:$0x1] =	stream.indirect_vreg.gather [hbm4b:s5+s3], $0x80, v3, vm0, $0xb8;
	[tilespmem:$0x7880] =	vst v63  }
0x37: {  	_ = 	snop  }
0x38: {  	[tilespmem:s21], [sflag:$0x1] =	stream.indirect_vreg.gather [hbm4b:s6+s3], $0x80, v3, vm0, $0xb8;
	[tilespmem:$0x7880] =	vst v63  }
0x39: {  	v3 =	vld.msk [tilespmem:$0x20], $0xff;
	_ =	sdelay $0x4  }
0x3a: {  	v63 =	vshrl.u32 v3, $0x3  }
0x3b: {  	v4 =	vmul.u32 $0x30, v63  }
0x3c: {  	v3 =	vand.u32 $0x7, v3  }
0x3d: {  	v3 =	vor.u32 v3, v4  }
0x3e: {  	v3 =	vperm.xlane v3, v0;
	_ =	sdelay $0x1  }
0x3f: {  	v3 =	vadd.s32 v1, v3;
	_ =	sdelay $0x4  }
0x40: {  	[tilespmem:s22], [sflag:$0x1] =	stream.indirect_vreg.gather [hbm4b:s1+s3], $0x80, v3, vm0, $0xb8;
	[tilespmem:$0x7880] =	vst v63  }
0x41: {  	_ = 	snop  }
0x42: {  	[tilespmem:s23], [sflag:$0x1] =	stream.indirect_vreg.gather [hbm4b:s5+s3], $0x80, v3, vm0, $0xb8;
	[tilespmem:$0x7880] =	vst v63  }
0x43: {  	_ = 	snop  }
0x44: {  	[tilespmem:s24], [sflag:$0x1] =	stream.indirect_vreg.gather [hbm4b:s6+s3], $0x80, v3, vm0, $0xb8;
	[tilespmem:$0x7880] =	vst v63  }
0x45: {  	_ =	swait.ge [sflag:s25], $0x7800  }
0x46: {  	p0 =	sne.s32 s8, $0x1;
	[sflag:s25] =	ssyncset.done $0x0  }
.Ltmp0:
0x47: {  	[sflag:s25] =	ssyncadd.s32 $0xFFFF8800;
	(pc) =	sbr.rel @p0 .LBB2_1-.Ltmp0, $4  }
0x48: {  	[hbm4b:s7+s3] =	stream.linear.scatter [tilespmem:s10], [sflag:$0x2], $0x7800, $0x38;
	[tilespmem:$0x7880] =	vst v63  }
0x49: {  	_ =	swait.ge [sflag:s9], $0x7800  }
0x4a: {  	[sflag:s9] =	ssyncset.done $0x0  }
0x4b: {  	s8 =	sadd.s32 $0xFFFFFFFF, s8;
	[sflag:s9] =	ssyncadd.s32 $0xFFFF8800  }
0x4c: {  	_ =	sfence.sel $0x180000  }
0x4d: {  	[bflag:$0x0] =	sbarrier.arrive $0xFFFF  }
0x4e: {  	p0 =	sne.s32 s0, $0x0;
	_ =	strace $0x90000047  }
0x4f: {  	s0 =	sadd.s32 @!p0 $0x100000, s2;
	[bflag:$0x2] =	sbarrier.arrive $0xFFFF  }
0x50: {  	[sflag:s0] =	ssyncadd.tile.s32 @!p0 $0x1;
	_ =	shalt  }
.Lfunc_end2:
_tile_overlayer_lowered:
.L_overlay_start_2:
0x51: {  	(tag) =	ssettag $0x2  }
0x52: {  	s0 =	rddreg [dreg:$0x0];
	s2 =	stileid.u32  }
0x53: {  	s1 =	rddreg [dreg:$0x1];
	p0 =	sne.s32 s2, $0x0  }
0x54: {  	s3 =	rddreg [dreg:$0x2];
	[bflag:$0x3] =	sbarrier.arrive $0xFFFF;
	s2 =	simm.s32 @!p0 $0x1C02  }
0x55: {  	[timem:s3], [sflag:s2] =	dma.local @!p0 [hbm:s0], s1  }
0x56: {  	s0 =	simm.s32 @!p0 $0x2  }
0x57: {  	_ =	swait.ge @!p0 [sflag:s0], s1  }
0x58: {  	s1 =	ssub.s32 @!p0 $0x0, s1;
	[sflag:s0] =	ssyncset.done @!p0 $0x0  }
0x59: {  	[sflag:s0] =	ssyncadd.s32 @!p0 s1  }
0x5a: {  	[bflag:$0x3] =	sbarrier.arrive $0xFFFF  }
0x5b: {  	_ =	shalt  }

</sc_bundles>
